<compile_context>
chip_gen: v7x
topology: tpu7x:2x2x1
jax: 0.10.2.dev20260603
libtpu: 0.0.44.dev20260713+nightly
codegen_flags: <defaults>
</compile_context>

<pallas_src>
import functools
import math

import jax
import jax.numpy as jnp
from jax.experimental import pallas as pl

_DIM = 64
_SLOTS = 128
_BLOCK_PAIRS = 4096


def _attn_read_kernel(q_ref, w1_ref, w2_ref, out_ref):
    q2 = q_ref[...]
    logits2 = jax.lax.dot_general(
        q2, w1_ref[...],
        dimension_numbers=(((1,), (0,)), ((), ())),
        preferred_element_type=jnp.float32,
    )
    e2 = jnp.exp2(logits2)
    s_even = jnp.sum(e2[:, :_SLOTS], axis=-1, keepdims=True)
    s_odd = jnp.sum(e2[:, _SLOTS:], axis=-1, keepdims=True)
    num2 = jax.lax.dot_general(
        e2, w2_ref[...],
        dimension_numbers=(((1,), (0,)), ((), ())),
        preferred_element_type=jnp.float32,
    )
    lane = jax.lax.broadcasted_iota(jnp.int32, num2.shape, 1)
    inv = jnp.where(lane < _DIM, 1.0 / s_even, 1.0 / s_odd)
    out_ref[...] = num2 * inv


def kernel(q, memory):
    n = q.shape[0]
    half = n // 2
    q2 = q.reshape(half, 2 * _DIM)

    c = math.log2(math.e) / math.sqrt(_DIM)
    mt_scaled = memory.T * c
    w1 = jnp.zeros((2 * _DIM, 2 * _SLOTS), jnp.float32)
    w1 = w1.at[:_DIM, :_SLOTS].set(mt_scaled)
    w1 = w1.at[_DIM:, _SLOTS:].set(mt_scaled)
    w2 = jnp.zeros((2 * _SLOTS, 2 * _DIM), jnp.float32)
    w2 = w2.at[:_SLOTS, :_DIM].set(memory)
    w2 = w2.at[_SLOTS:, _DIM:].set(memory)

    grid = (half // _BLOCK_PAIRS,)
    out2 = pl.pallas_call(
        _attn_read_kernel,
        grid=grid,
        in_specs=[
            pl.BlockSpec((_BLOCK_PAIRS, 2 * _DIM), lambda i: (i, 0)),
            pl.BlockSpec((2 * _DIM, 2 * _SLOTS), lambda i: (0, 0)),
            pl.BlockSpec((2 * _SLOTS, 2 * _DIM), lambda i: (0, 0)),
        ],
        out_specs=pl.BlockSpec((_BLOCK_PAIRS, 2 * _DIM), lambda i: (i, 0)),
        out_shape=jax.ShapeDtypeStruct((half, 2 * _DIM), jnp.float32),
    )(q2, w1, w2)
    return out2.reshape(n, _DIM)

# --- scband reference (transcript-rebuilt; emitter-appended) ---
"""Pipeline reference for scband-titans-memory-74457553044431 (READ-ONLY COPY).

The authoritative reference and input builder live on the scoring server;
editing this copy changes nothing except your own understanding.
"""

import jax, jax.numpy as jnp
import numpy as np
import math

DIM = 64
SLOTS = 128
N = 262144


def setup_inputs(seed: int = 0) -> dict:
    key = jax.random.key(seed)
    k1, k2 = jax.random.split(key)
    q = jax.random.normal(k1, (N, DIM), dtype=jnp.float32)
    # memory buffer: registered as zeros in the module, but filled with
    # representative written state so softmax read is nontrivial
    memory = jax.random.normal(k2, (SLOTS, DIM), dtype=jnp.float32)
    return {"q": q, "memory": memory}


def reference(q, memory):
    # TitansMemory.read: attn = softmax(q @ memory.T / sqrt(dim)); out = attn @ memory
    scale = 1.0 / math.sqrt(q.shape[-1])
    logits = (q @ memory.T) * scale
    attn = jax.nn.softmax(logits, axis=-1)
    return attn @ memory

if __name__ == "__main__":
    import jax
    _d = setup_inputs()
    print(jax.jit(kernel)(*tuple(_d.values())))

</pallas_src>

<mosaic_0001>
module attributes {stable_mosaic.version = 14 : i64} {
  func.func @_attn_read_kernel(%arg0: i32, %arg1: memref<4096x128xf32, #tpu.memory_space<vmem>>, %arg2: memref<128x256xf32, #tpu.memory_space<vmem>>, %arg3: memref<256x128xf32, #tpu.memory_space<vmem>>, %arg4: memref<4096x128xf32, #tpu.memory_space<vmem>>) attributes {dimension_semantics = [#tpu.dimension_semantics<arbitrary>], iteration_bounds = array<i64: 32>, scalar_prefetch = 0 : i64, scratch_operands = 0 : i64, tpu.core_type = #tpu.core_type<tc>, window_params = [{transform_indices = @transform_0, window_bounds = array<i64: 4096, 128>}, {pipeline_mode = #tpu.pipeline_mode<synchronous>, transform_indices = @transform_1, window_bounds = array<i64: 128, 256>}, {pipeline_mode = #tpu.pipeline_mode<synchronous>, transform_indices = @transform_2, window_bounds = array<i64: 256, 128>}, {transform_indices = @transform_3, window_bounds = array<i64: 4096, 128>}]} {
    %get3A = arith.constant 0 : index
    %get3A_0 = arith.constant 0 : index
    %get3A_1 = vector.load %arg1[%get3A, %get3A_0] : memref<4096x128xf32, #tpu.memory_space<vmem>>, vector<4096x128xf32>
    %get3A_2 = arith.constant 0 : index
    %get3A_3 = arith.constant 0 : index
    %get3A_4 = vector.load %arg2[%get3A_2, %get3A_3] : memref<128x256xf32, #tpu.memory_space<vmem>>, vector<128x256xf32>
    %dot_general3A = arith.constant dense<0.000000e+00> : vector<4096x256xf32>
    %dot_general3A_5 = tpu.matmul %get3A_1, %get3A_4, %dot_general3A {dimension_numbers = #tpu.dot_dimension_numbers<[1], [0], [0], [1], [0, 0, 1, 1], [], []>, transpose_lhs_hint = false} : vector<4096x128xf32>, vector<128x256xf32>, vector<4096x256xf32> -> vector<4096x256xf32>
    %exp23A = math.exp2 %dot_general3A_5 : vector<4096x256xf32>
    %slice3A = vector.extract_strided_slice %exp23A {offsets = [0, 0], sizes = [4096, 128], strides = [1, 1]} : vector<4096x256xf32> to vector<4096x128xf32>
    %reduce_sum3A = arith.constant dense<0.000000e+00> : vector<4096xf32>
    %reduce_sum3A_6 = vector.multi_reduction <add>, %slice3A, %reduce_sum3A [1] : vector<4096x128xf32> to vector<4096xf32>
    %broadcast_in_dim3A = vector.shape_cast %reduce_sum3A_6 : vector<4096xf32> to vector<4096x1xf32>
    %slice3A_7 = vector.extract_strided_slice %exp23A {offsets = [0, 128], sizes = [4096, 128], strides = [1, 1]} : vector<4096x256xf32> to vector<4096x128xf32>
    %reduce_sum3A_8 = arith.constant dense<0.000000e+00> : vector<4096xf32>
    %reduce_sum3A_9 = vector.multi_reduction <add>, %slice3A_7, %reduce_sum3A_8 [1] : vector<4096x128xf32> to vector<4096xf32>
    %broadcast_in_dim3A_10 = vector.shape_cast %reduce_sum3A_9 : vector<4096xf32> to vector<4096x1xf32>
    %get3A_11 = arith.constant 0 : index
    %get3A_12 = arith.constant 0 : index
    %get3A_13 = vector.load %arg3[%get3A_11, %get3A_12] : memref<256x128xf32, #tpu.memory_space<vmem>>, vector<256x128xf32>
    %dot_general3A_14 = arith.constant dense<0.000000e+00> : vector<4096x128xf32>
    %dot_general3A_15 = tpu.matmul %exp23A, %get3A_13, %dot_general3A_14 {dimension_numbers = #tpu.dot_dimension_numbers<[1], [0], [0], [1], [0, 0, 1, 1], [], []>, transpose_lhs_hint = false} : vector<4096x256xf32>, vector<256x128xf32>, vector<4096x128xf32> -> vector<4096x128xf32>
    %iota3A = tpu.iota {dimensions = array<i32: 1>} : vector<4096x128xi32>
    %lt3A = arith.constant 64 : i32
    %lt3A_16 = vector.broadcast %lt3A : i32 to vector<4096x128xi32>
    %lt3A_17 = arith.cmpi slt, %iota3A, %lt3A_16 : vector<4096x128xi32>
    %div3A = arith.constant 1.000000e+00 : f32
    %div3A_18 = vector.broadcast %div3A : f32 to vector<4096x1xf32>
    %div3A_19 = arith.divf %div3A_18, %broadcast_in_dim3A : vector<4096x1xf32>
    %div3A_20 = arith.constant 1.000000e+00 : f32
    %div3A_21 = vector.broadcast %div3A_20 : f32 to vector<4096x1xf32>
    %div3A_22 = arith.divf %div3A_21, %broadcast_in_dim3A_10 : vector<4096x1xf32>
    %broadcast_in_dim3A_23 = vector.shape_cast %div3A_19 : vector<4096x1xf32> to vector<4096x1xf32>
    %broadcast_in_dim3A_24 = vector.broadcast %broadcast_in_dim3A_23 : vector<4096x1xf32> to vector<4096x128xf32>
    %broadcast_in_dim3A_25 = vector.shape_cast %div3A_22 : vector<4096x1xf32> to vector<4096x1xf32>
    %broadcast_in_dim3A_26 = vector.broadcast %broadcast_in_dim3A_25 : vector<4096x1xf32> to vector<4096x128xf32>
    %select_n3A = arith.select %lt3A_17, %broadcast_in_dim3A_24, %broadcast_in_dim3A_26 : vector<4096x128xi1>, vector<4096x128xf32>
    %mul3A = arith.mulf %dot_general3A_15, %select_n3A : vector<4096x128xf32>
    %swap3A = arith.constant 0 : index
    %swap3A_27 = arith.constant 0 : index
    %swap3A_28 = vector.load %arg4[%swap3A, %swap3A_27] : memref<4096x128xf32, #tpu.memory_space<vmem>>, vector<4096x128xf32>
    tpu.vector_store %arg4[%swap3A, %swap3A_27], %mul3A {strides = array<i32>} : memref<4096x128xf32, #tpu.memory_space<vmem>>, vector<4096x128xf32>,
    return
  }
  func.func @transform_0(%arg0: i32) -> (i32, i32) {
    %c0_i32 = arith.constant 0 : i32
    %c0_i32_0 = arith.constant 0 : i32
    return %arg0, %c0_i32 : i32, i32
  }
  func.func @transform_1(%arg0: i32) -> (i32, i32) {
    %c0_i32 = arith.constant 0 : i32
    %c0_i32_0 = arith.constant 0 : i32
    %c0_i32_1 = arith.constant 0 : i32
    return %c0_i32, %c0_i32_0 : i32, i32
  }
  func.func @transform_2(%arg0: i32) -> (i32, i32) {
    %c0_i32 = arith.constant 0 : i32
    %c0_i32_0 = arith.constant 0 : i32
    %c0_i32_1 = arith.constant 0 : i32
    return %c0_i32, %c0_i32_0 : i32, i32
  }
  func.func @transform_3(%arg0: i32) -> (i32, i32) {
    %c0_i32 = arith.constant 0 : i32
    %c0_i32_0 = arith.constant 0 : i32
    return %arg0, %c0_i32 : i32, i32
  }
}

</mosaic_0001>

<sc_bundles>
// kernel: sparse-core-data-format-call.cloned.1.call-start
scs
called_computation_lowered:
.L_overlay_start_0:
0x0: {  	s2 =	sld [smem:$0x3FD9]  }
0x1: {  	s3 =	sld [smem:$0x3FFE];
	_ =	sdelay $0x1  }
0x2: {  	s1 =	srdreg.scid  }
0x3: {  	s0 =	sand.u32 $0x1, s1  }
0x4: {  	s18 =	sshll.u32 s0, $0xA;
	s2 =	sadd.s32 s3, s2  }
0x5: {  	s2 =	sadd.s32 s2, s18  }
0x6: {  	[smem:$0x3FC6] =	sst s2  }
0x7: {  	_ = 	snop  }
0x8: {  	s2 =	sld [smem:$0x3FD0];
	(tm) =	ssettm $0x1  }
0x9: {  	s19 =	sld [smem:$0x3FFB];
	_ =	sdelay $0x3  }
0xa: {  	_ =	strace s19  }
0xb: {  	s3 =	sld [smem:$0x3FFC];
	_ =	sdelay $0x3  }
0xc: {  	_ =	strace s3  }
0xd: {  	s3 =	sld [smem:$0x3FFD];
	_ =	sdelay $0x3  }
0xe: {  	_ =	strace s3  }
0xf: {  	_ =	strace $0x8FFFFFFF  }
0x10: {  	s20 =	sld [smem:$0x3FDB];
	_ =	sdelay $0x1  }
0x11: {  	s4 =	simm.s32 $_scs_section_size  }
0x12: {  	s5 =	simm.s32 $_size__tile_overlayer_lowered;
	s6 =	simm.s32 $_tile_overlayer_lowered  }
0x13: {  	s23 =	simm.s32 $0x1BFF;
	s22 =	sshll.u32 s6, $0x1;
	s3 =	sadd.s32 s4, s20  }
0x14: {  	s7 =	simm.s32 $0x0;
	s21 =	sshll.u32 s5, $0x1;
	s5 =	sadd.s32 s22, s3  }
0x15: {  	[timem:s7], [sflag:s23] =	dma.local [hbm:s5], s21  }
0x16: {  	_ =	swait.ge [sflag:s23], s21  }
0x17: {  	s4 =	ssub.s32 $0x0, s21;
	[sflag:s23] =	ssyncset.done $0x0  }
0x18: {  	[sflag:s23] =	ssyncadd.s32 s4;
	_ =	sdelay $0x1  }
0x19: {  	s24 =	simm.s32 $0x1B8B  }
0x1a: {  	_ =	swait.ge [sflag:s24], $0x1  }
0x1b: {  	[sflag:s24] =	ssyncset.done $0x0  }
0x1c: {  	s26 =	simm.s32 $0x1B8E;
	s25 =	sld [smem:$0x3FFE];
	[sflag:s24] =	ssyncadd.s32 $0xFFFFFFFF  }
0x1d: {  	s27 =	simm.s32 $execute0_lowered;
	[smem:$0x3FD2] =	sst s26  }
0x1e: {  	s5 =	sshll.u32 s27, $0x1;
	_ =	strace $0x80000046;
	[dreg:$0x1] =	wrdreg $0xFFFFFFFF  }
0x1f: {  	s28 =	simm.s32 $_size_execute0_lowered;
	s3 =	sadd.s32 s3, s5;
	[dreg:$0x0] =	wrdreg $0x0  }
0x20: {  	s5 =	sshll.u32 s28, $0x1;
	[dreg:$0x2] =	wrdreg s3  }
0x21: {  	[dreg:$0x3] =	wrdreg s5  }
0x22: {  	[dreg:$0x4] =	wrdreg $0xC0  }
0x23: {  	_ =	task [dreg:s7], $0x5FFFF  }
0x24: {  	[dreg:$0x1] =	wrdreg $0xFFFFFFFF  }
0x25: {  	[dreg:$0x0] =	wrdreg $0x60  }
0x26: {  	[dreg:$0x2] =	wrdreg s25  }
0x27: {  	[dreg:$0x3] =	wrdreg s2  }
0x28: {  	[dreg:$0x4] =	wrdreg $0x9  }
0x29: {  	_ =	task.clear_ibuf [dreg:s7], $0x5FFFF;
	_ =	strace $0x90000046  }
0x2a: {  	s29 =	simm.s32 $0x9;
	_ =	strace $0x80000048  }
0x2b: {  	_ =	swait.ge [sflag:s29], $0x1  }
0x2c: {  	[sflag:s29] =	ssyncadd.s32 $0xFFFFFFFF  }
0x2d: {  	_ =	strace $0x90000048  }
0x2e: {  	_ =	sfence  }
0x2f: {  	s30 =	sld [smem:$0x0];
	_ =	sdelay $0x2  }
0x30: {  	s31 =	sshll.u32 s1, $0xD;
	s1 =	sshrl.u32 s1, $0x2  }
0x31: {  	s3 =	sand.u32 $0x4000, s31;
	s1 =	sadd.s32 s1, s30  }
0x32: {  	s0 =	sor.u32 s3, s0;
	s1 =	sshll.u32 s1, $0x11  }
0x33: {  	s0 =	sor.u32 s1, s0  }
0x34: {  	s0 =	sadd.s32 $0x8F2B, s0  }
0x35: {  	[sflag:s0] =	ssyncadd.remote.s32 $0x1  }
0x36: {  	_ =	sfence.sel $0xFFFF  }
0x37: {  	[dreg:$0x0] =	wrdreg $0xFFFFFFFF;
	(pc) =	sbr.abs _section_cstart, $3  }
0x38: {  	[dreg:$0x1] =	wrdreg $0xFFFFFFFF  }
0x39: {  	_ =	task.clear_ibuf [dreg:s7], $0x2FFFF;
	_ =	strace $0x9FFFFFFF  }
0x3a: {  	(tm) =	ssettm $0x7FFFFFFF  }
0x3b: {  	_ =	shalt  }
tec
execute0_lowered:
.L_overlay_start_1:
0x0: {  	(tag) =	ssettag $0x1  }
0x1: {  	s0 =	srdreg.scid  }
0x2: {  	s1 =	sshll.u32 s0, $0x4  }
0x3: {  	s4 =	rddreg [dreg:$0x0];
	s0 =	stileid.u32;
	s1 =	sand.u32 $0x10, s1  }
0x4: {  	s2 =	rddreg [dreg:$0x1];
	s7 =	simm.s32 $0x1;
	s1 =	sor.u32 s0, s1  }
0x5: {  	s8 =	simm.s32 $0x2;
	s11 =	simm.s32 $0x0;
	s3 =	sshll.u32 s1, $0x7  }
0x6: {  	s10 =	simm.s32 $0x0;
	s4 =	sadd.s32 $0x200600, s4;
	s6 =	ssub.s32 $0x40000, s3  }
.Ltmp0:
0x7: {  	s1 =	rddreg [dreg:$0x2];
	s5 =	sand.u32 $0xF80, s6;
	(pc) =	sbr.rel .LBB1_1-.Ltmp0, $4  }
0x8: {  	_ =	strace $0x80000047;
	s9 =	smov.u32 s3;
	p0 =	sne.s32 s5, $0x0  }
0x9: {  	s6 =	sshrl.u32 s6, $0xC;
	s5 =	simm.s32 $0x1;
	s7 =	simm.s32 @!p0 $0x0  }
0xa: {  	[sflag:s5] =	ssyncpa.u1 $0x0;
	p0 =	por $0x0, $0x0;
	s6 =	sadd.s32 s7, s6  }
0xb: {  	[sflag:s8] =	ssyncpa.u1 $0x0;
	s8 =	simm.s32 $0x200000;
	s7 =	sadd.s32 $0x1, s6  }
.LBB1_4:
0xc: {  	s14 =	sshll.u32 s11, $0x3  }
0xd: {  	s15 =	sand.u32 $0x78, s11;
	s14 =	sand.u32 $0x3FC00, s14  }
0xe: {  	[tilespmem:s13+$0x810 ss:$0x81] =	vst.msk $0xffff, v2;
	s29 =	sand.u32 $0x1F8000, s11;
	s30 =	sand.u32 $0x7, s11;
	s14 =	sor.u32 s15, s14  }
0xf: {  	[tilespmem:s13+$0x1020 ss:$0x81] =	vst.msk $0xffff, v0;
	s11 =	sshll.u32 s30, $0x12;
	s15 =	sadd.s32 s2, s29;
	s14 =	sshrl.u32 s14, $0x3  }
0x10: {  	[tilespmem:s13+$0x0 ss:$0x81] =	vst.msk $0xffff, v1;
	s11 =	sor.u32 $0x400, s11;
	s31 =	sadd.s32 s14, s15  }
0x11: {  	[hbm4b:s31+s11] =	stream.strided.scatter [tilespmem:s12], [sflag:$0x2], $0x2000, s8, s11, $0x20;
	[tilespmem:$0x8080] =	vst v63  }
.LBB1_5:
0x12: {  	s13 =	sadd.s32 $0x1000, s9  }
0x13: {  	p2 =	sgt.s32 s13, $0x3FFFF  }
0x14: {  	s13 =	smov.u32 @p2 s3;
	p2 =	sne.s32 s10, s7  }
.Ltmp1:
0x15: {  	p1 =	slt.u32 s10, $0x2;
	(pc) =	sbr.rel @!p2 .LBB1_6-.Ltmp1, $4  }
0x16: {  	s12 =	simm.s32 @!p1 $0x2  }
0x17: {  	s14 =	sadd.s32 $0x1, s10;
	_ =	swait.ge @!p1 [sflag:s12], $0x2000  }
0x18: {  	s11 =	smov.u32 s9;
	p0 =	por !p0, !p0;
	[sflag:s12] =	ssyncset.done @!p1 $0x0  }
0x19: {  	s10 =	smov.u32 s14;
	s9 =	smov.u32 s13;
	[sflag:s12] =	ssyncadd.s32 @!p1 $0xFFFFE000  }
.LBB1_1:
0x1a: {  	p1 =	sge.u32 s10, s6  }
0x1b: {  	s31 =	sadd.s32 $0xFFFFFFFF, s10;
	s12 =	sxor.u32 @!p1 $0xFFFFFFFF, s10;
	s13 =	sshll.u32 @!p1 s9, $0x4  }
0x1c: {  	s14 =	simm.s32 @!p1 $0x40;
	s12 =	sshll.u32 @!p1 s12, $0xD;
	s13 =	sand.u32 @!p1 $0x3FFFF0, s13  }
0x1d: {  	s15 =	simm.s32 @!p1 $0x80;
	s12 =	sand.u32 @!p1 $0x2000, s12;
	s13 =	sadd.s32 @!p1 s4, s13  }
0x1e: {  	[tilespmem:s12], [sflag:$0x1] =	stream.strided.gather @!p1 [hbm4b:s13+s14], $0x2000, s15, s14, $0x38;
	[tilespmem:$0x8080] =	vst v63  }
0x1f: {  	p1 =	sge.u32 s31, s6  }
.Ltmp2:
0x20: {  	_ = 	snop;
	(pc) =	sbr.rel @p1 .LBB1_5-.Ltmp2, $1  }
0x21: {  	_ =	sdelay $0x3  }
0x22: {  	s12 =	simm.s32 $0x1  }
0x23: {  	_ =	swait.ge [sflag:s5], $0x2000;
	s12 =	simm.s32 @!p0 $0x0  }
0x24: {  	[sflag:s5] =	ssyncset.done $0x0;
	s13 =	sshll.u32 s12, $0xD  }
0x25: {  	[sflag:s5] =	ssyncadd.s32 $0xFFFFE000;
	s16 =	sor.u32 $0x20, s13  }
0x26: {  	s12 =	smul.u32 $0x8100, s12;
	v3 =	vld [tilespmem:s16+$0x10]  }
0x27: {  	s30 =	sand.u32 $0x1, s10;
	v2 =	vld [tilespmem:s16+$0xFFFFFFF0]  }
0x28: {  	s13 =	smul.u32 $0x8100, s30;
	s12 =	sshrl.u32 s12, $0x2;
	v0 =	vld [tilespmem:s16+$0x0]  }
0x29: {  	v1 =	vld [tilespmem:s16+$0xFFFFFFE0];
	s14 =	sor.u32 $0x4000, s12  }
0x2a: {  	s31 =	sshrl.u32 s13, $0x2;
	s13 =	sadd.s32 $0x0, s14  }
0x2b: {  	s15 =	simm.s32 $0x4;
	s16 =	sadd.s32 $0x40, s16;
	s12 =	sor.u32 $0x4000, s31;
	[tilespmem:s13+$0x1830 ss:$0x81] =	vst.msk $0xffff, v3  }
.LBB1_3:
0x2c: {  	v3 =	vld [tilespmem:s16+$0x10];
	p1 =	sne.s32 s15, $0x1FC;
	[tilespmem:s13+$0x810 ss:$0x81] =	vst.msk $0xffff, v2;
	s17 =	smov.u32 s15;
	s15 =	sadd.s32 $0x4, s15  }
.Ltmp3:
0x2d: {  	v2 =	vld [tilespmem:s16+$0xFFFFFFF0];
	[tilespmem:s13+$0x1020 ss:$0x81] =	vst.msk $0xffff, v0;
	(pc) =	sbr.rel @p1 .LBB1_3-.Ltmp3, $4  }
0x2e: {  	v0 =	vld [tilespmem:s16+$0x0];
	[tilespmem:s13+$0x0 ss:$0x81] =	vst.msk $0xffff, v1  }
0x2f: {  	s13 =	sshra.s32 s17, $0x2;
	v1 =	vld [tilespmem:s16+$0xFFFFFFE0]  }
0x30: {  	s13 =	sadd.s32 s13, s14  }
0x31: {  	s16 =	sadd.s32 $0x40, s16;
	[tilespmem:s13+$0x1830 ss:$0x81] =	vst.msk $0xffff, v3  }
.Ltmp4:
0x32: {  	_ = 	snop;
	(pc) =	sbr.rel .LBB1_4-.Ltmp4, $1  }
0x33: {  	_ =	sdelay $0x3  }
.LBB1_6:
0x34: {  	_ =	sfence.sel $0x180000  }
0x35: {  	s2 =	simm.s32 $0x1;
	[bflag:$0x0] =	sbarrier.arrive $0xFFFF  }
0x36: {  	s31 =	simm.s32 $0x2;
	[sflag:s2] =	ssyncpa.u1 $0x1  }
0x37: {  	[sflag:s31] =	ssyncpa.u1 $0x1  }
0x38: {  	p0 =	sne.s32 s0, $0x0;
	_ =	strace $0x90000047  }
0x39: {  	s0 =	sadd.s32 @!p0 $0x100000, s1;
	[bflag:$0x2] =	sbarrier.arrive $0xFFFF  }
0x3a: {  	[sflag:s0] =	ssyncadd.tile.s32 @!p0 $0x1;
	_ =	shalt  }
.Lfunc_end1:
_tile_overlayer_lowered:
.L_overlay_start_2:
0x3b: {  	(tag) =	ssettag $0x2  }
0x3c: {  	s0 =	rddreg [dreg:$0x0];
	s2 =	stileid.u32  }
0x3d: {  	s1 =	rddreg [dreg:$0x1];
	p0 =	sne.s32 s2, $0x0  }
0x3e: {  	s3 =	rddreg [dreg:$0x2];
	[bflag:$0x3] =	sbarrier.arrive $0xFFFF;
	s2 =	simm.s32 @!p0 $0x1C01  }
0x3f: {  	[timem:s3], [sflag:s2] =	dma.local @!p0 [hbm:s0], s1  }
0x40: {  	s0 =	simm.s32 @!p0 $0x1  }
0x41: {  	_ =	swait.ge @!p0 [sflag:s0], s1  }
0x42: {  	s1 =	ssub.s32 @!p0 $0x0, s1;
	[sflag:s0] =	ssyncset.done @!p0 $0x0  }
0x43: {  	[sflag:s0] =	ssyncadd.s32 @!p0 s1  }
0x44: {  	[bflag:$0x3] =	sbarrier.arrive $0xFFFF  }
0x45: {  	_ =	shalt  }

</sc_bundles>
